<compile_context>
chip_gen: v7x
topology: tpu7x:2x2x1
jax: 0.10.2.dev20260603
libtpu: 0.0.44.dev20260713+nightly
codegen_flags: <defaults>
</compile_context>

<pallas_src>
import functools

import jax
import jax.numpy as jnp
from jax import lax
from jax.experimental import pallas as pl
from jax.experimental.pallas import tpu as pltpu
from jax.experimental.pallas import tpu_sc as plsc

NC = 2; NS = 16; L = 16; NW = 32
TABLE = 256 * 256 * 256
PLANE = 512 * 512
P = 4 * PLANE
PPT = P // NW
C = 4096
NCHUNK = PPT // C
NV = C // L

_mesh = plsc.VectorSubcoreMesh(core_axis_name="c", subcore_axis_name="s")


@functools.partial(
    pl.kernel,
    mesh=_mesh,
    out_type=jax.ShapeDtypeStruct((12 * PLANE,), jnp.float32),
    compiler_params=pltpu.CompilerParams(use_tc_tiling_on_sc=False),
    scratch_types=[
        pltpu.VMEM((C,), jnp.float32),
        pltpu.VMEM((C,), jnp.float32),
        pltpu.VMEM((C,), jnp.float32),
        pltpu.VMEM((C,), jnp.int32),
        pltpu.VMEM((C,), jnp.int32),
        pltpu.VMEM((C,), jnp.int32),
        pltpu.VMEM((C,), jnp.int32),
        pltpu.VMEM((C,), jnp.int32),
        pltpu.VMEM((C,), jnp.int32),
        pltpu.VMEM((C,), jnp.float32),
        pltpu.VMEM((C,), jnp.float32),
        pltpu.VMEM((C,), jnp.float32),
        pltpu.VMEM((C,), jnp.float32),
        pltpu.VMEM((C,), jnp.float32),
        pltpu.VMEM((C,), jnp.float32),
        pltpu.SemaphoreType.DMA,
    ],
)
def _sc_body(img_hbm, wb_hbm, out_hbm,
             rv, gv, bv, i0, i1, i2, i3, i4, i5,
             w0v, w1v, w2v, b0v, b1v, b2v, sem):
    wid = lax.axis_index("s") * NC + lax.axis_index("c")
    n = wid // 8
    poff0 = (wid % 8) * PPT

    def chunk(j, carry):
        off = poff0 + j * C
        base = n * (3 * PLANE) + off
        pltpu.sync_copy(img_hbm.at[pl.ds(base, C)], rv)
        pltpu.sync_copy(img_hbm.at[pl.ds(base + PLANE, C)], gv)
        pltpu.sync_copy(img_hbm.at[pl.ds(base + 2 * PLANE, C)], bv)

        def mkidx(i, c2):
            s = i * L
            fi = rv[pl.ds(s, L)] * 65536.0 + gv[pl.ds(s, L)] * 256.0 + bv[pl.ds(s, L)]
            ii = fi.astype(jnp.int32)
            i0[pl.ds(s, L)] = ii
            i1[pl.ds(s, L)] = ii + TABLE
            i2[pl.ds(s, L)] = ii + 2 * TABLE
            i3[pl.ds(s, L)] = ii + 3 * TABLE
            i4[pl.ds(s, L)] = ii + 4 * TABLE
            i5[pl.ds(s, L)] = ii + 5 * TABLE
            return c2

        lax.fori_loop(0, NV, mkidx, 0)

        cps = [
            pltpu.async_copy(wb_hbm.at[i0], w0v, sem),
            pltpu.async_copy(wb_hbm.at[i1], w1v, sem),
            pltpu.async_copy(wb_hbm.at[i2], w2v, sem),
            pltpu.async_copy(wb_hbm.at[i3], b0v, sem),
            pltpu.async_copy(wb_hbm.at[i4], b1v, sem),
            pltpu.async_copy(wb_hbm.at[i5], b2v, sem),
        ]
        for cp in cps:
            cp.wait()

        def comp(i, c2):
            s = i * L
            for ch, wcol, bcol in ((rv, w0v, b0v), (gv, w1v, b1v), (bv, w2v, b2v)):
                x = ch[pl.ds(s, L)]
                wv = wcol[pl.ds(s, L)]
                bb = bcol[pl.ds(s, L)]
                ch[pl.ds(s, L)] = wv * x + 127.0 * (bb - wv + 1.0)
            return c2

        lax.fori_loop(0, NV, comp, 0)

        pltpu.sync_copy(rv, out_hbm.at[pl.ds(base, C)])
        pltpu.sync_copy(gv, out_hbm.at[pl.ds(base + PLANE, C)])
        pltpu.sync_copy(bv, out_hbm.at[pl.ds(base + 2 * PLANE, C)])
        return carry

    lax.fori_loop(0, NCHUNK, chunk, 0)


def kernel(img, w, b):
    wb = jnp.concatenate([w[:, 0], w[:, 1], w[:, 2], b[:, 0], b[:, 1], b[:, 2]])
    out = _sc_body(img.reshape(-1), wb)
    return out.reshape(4, 3, 512, 512)

# --- scband reference (transcript-rebuilt; emitter-appended) ---
"""Pipeline reference for scband-get-gernerator-18322330485349 (READ-ONLY COPY).

The authoritative reference and input builder live on the scoring server;
editing this copy changes nothing except your own understanding.
"""

import jax, jax.numpy as jnp
import numpy as np

TABLE = 256 * 256 * 256

def setup_inputs(seed: int = 0) -> dict:
    key = jax.random.key(seed)
    img = jax.random.randint(key, (4, 3, 512, 512), 0, 256).astype(jnp.float32)
    w = jnp.ones((TABLE, 3), dtype=jnp.float32)
    b = jnp.zeros((TABLE, 3), dtype=jnp.float32)
    return {"img": img, "w": w, "b": b}

def reference(img, w, b):
    # torch.transpose(img,1,3) then (1,2): [B,C,H,W] -> [B,H,W,C]
    x = jnp.transpose(img, (0, 2, 3, 1))
    idx = (x[..., 0] * (256 * 256) + x[..., 1] * 256 + x[..., 2]).astype(jnp.int32)
    xn = x / 127.0 - 1.0
    out = w[idx] * xn + b[idx]
    out = (out + 1.0) * 127.0
    # transpose(1,3) then (2,3): [B,H,W,C] -> [B,C,H,W]
    return jnp.transpose(out, (0, 3, 1, 2))

if __name__ == "__main__":
    import jax
    _d = setup_inputs()
    print(jax.jit(kernel)(*tuple(_d.values())))

</pallas_src>

<mosaic_0001>
#map = affine_map<(d0, d1) -> (0)>
module attributes {stable_mosaic.version = 14 : i64} {
  func.func @_sc_body(%arg0: i32, %arg1: i32, %arg2: memref<3145728xf32, #tpu.memory_space<hbm>>, %arg3: memref<100663296xf32, #tpu.memory_space<hbm>>, %arg4: memref<3145728xf32, #tpu.memory_space<hbm>>, %arg5: memref<4096xf32, #tpu.memory_space<vmem>>, %arg6: memref<4096xf32, #tpu.memory_space<vmem>>, %arg7: memref<4096xf32, #tpu.memory_space<vmem>>, %arg8: memref<4096xi32, #tpu.memory_space<vmem>>, %arg9: memref<4096xi32, #tpu.memory_space<vmem>>, %arg10: memref<4096xi32, #tpu.memory_space<vmem>>, %arg11: memref<4096xi32, #tpu.memory_space<vmem>>, %arg12: memref<4096xi32, #tpu.memory_space<vmem>>, %arg13: memref<4096xi32, #tpu.memory_space<vmem>>, %arg14: memref<4096xf32, #tpu.memory_space<vmem>>, %arg15: memref<4096xf32, #tpu.memory_space<vmem>>, %arg16: memref<4096xf32, #tpu.memory_space<vmem>>, %arg17: memref<4096xf32, #tpu.memory_space<vmem>>, %arg18: memref<4096xf32, #tpu.memory_space<vmem>>, %arg19: memref<4096xf32, #tpu.memory_space<vmem>>, %arg20: memref<!tpu.dma_semaphore, #tpu.memory_space<semaphore_mem>>) attributes {dimension_semantics = [#tpu.dimension_semantics<core_parallel>, #tpu.dimension_semantics<subcore_parallel>], iteration_bounds = array<i64: 2, 16>, scalar_prefetch = 0 : i64, scratch_operands = 16 : i64, tpu.core_type = #tpu.core_type<sc_vector_subcore>, window_params = [{transform_indices = #map}, {transform_indices = #map}, {transform_indices = #map}]} {
    %mul3A = arith.constant 2 : i32
    %mul3A_0 = arith.muli %arg1, %mul3A : i32
    %add3A = arith.addi %mul3A_0, %arg0 : i32
    %jit3A = arith.constant 8 : i32
    %div3A = arith.divsi %add3A, %jit3A : i32
    %sign3A = arith.constant 0 : i32
    %sign3A_1 = arith.cmpi sgt, %add3A, %sign3A : i32
    %sign3A_2 = arith.extui %sign3A_1 : i1 to i32
    %sign3A_3 = arith.constant 0 : i32
    %sign3A_4 = arith.cmpi slt, %add3A, %sign3A_3 : i32
    %sign3A_5 = arith.extui %sign3A_4 : i1 to i32
    %sign3A_6 = arith.subi %sign3A_2, %sign3A_5 : i32
    %sign3A_7 = arith.constant 0 : i32
    %sign3A_8 = arith.cmpi sgt, %jit3A, %sign3A_7 : i32
    %sign3A_9 = arith.extui %sign3A_8 : i1 to i32
    %sign3A_10 = arith.constant 0 : i32
    %sign3A_11 = arith.cmpi slt, %jit3A, %sign3A_10 : i32
    %sign3A_12 = arith.extui %sign3A_11 : i1 to i32
    %sign3A_13 = arith.subi %sign3A_9, %sign3A_12 : i32
    %ne3A = arith.cmpi ne, %sign3A_6, %sign3A_13 : i32
    %rem3A = arith.remsi %add3A, %jit3A : i32
    %ne3A_14 = arith.constant 0 : i32
    %ne3A_15 = arith.cmpi ne, %rem3A, %ne3A_14 : i32
    %and3A = arith.andi %ne3A, %ne3A_15 : i1
    %sub3A = arith.constant 1 : i32
    %sub3A_16 = arith.subi %div3A, %sub3A : i32
    %select_n3A = arith.select %and3A, %sub3A_16, %div3A : i32
    %jit3A_17 = arith.constant 8 : i32
    %eq3A = arith.constant 0 : i32
    %eq3A_18 = arith.cmpi eq, %jit3A_17, %eq3A : i32
    %jit3A_19 = arith.constant 1 : i32
    %select_n3A_20 = arith.select %eq3A_18, %jit3A_19, %jit3A_17 : i32
    %rem3A_21 = arith.remsi %add3A, %select_n3A_20 : i32
    %ne3A_22 = arith.constant 0 : i32
    %ne3A_23 = arith.cmpi ne, %rem3A_21, %ne3A_22 : i32
    %lt3A = arith.constant 0 : i32
    %lt3A_24 = arith.cmpi slt, %rem3A_21, %lt3A : i32
    %lt3A_25 = arith.constant 0 : i32
    %lt3A_26 = arith.cmpi slt, %select_n3A_20, %lt3A_25 : i32
    %ne3A_27 = arith.xori %lt3A_24, %lt3A_26 : i1
    %and3A_28 = arith.andi %ne3A_27, %ne3A_23 : i1
    %add3A_29 = arith.addi %rem3A_21, %select_n3A_20 : i32
    %select_n3A_30 = arith.select %and3A_28, %add3A_29, %rem3A_21 : i32
    %mul3A_31 = arith.constant 32768 : i32
    %mul3A_32 = arith.muli %select_n3A_30, %mul3A_31 : i32
    %scan3A = arith.constant 0 : i32
    %scan3A_33 = arith.constant 0 : i32
    %scan3A_34 = arith.constant 8 : i32
    %scan3A_35 = arith.addi %scan3A_33, %scan3A_34 : i32
    %scan3A_36 = arith.constant 1 : i32
    scf.for %scan3A_38 = %scan3A_33 to %scan3A_35 step %scan3A_36  : i32 {
      %mul3A_39 = arith.constant 4096 : i32
      %mul3A_40 = arith.muli %scan3A_38, %mul3A_39 : i32
      %add3A_41 = arith.addi %mul3A_32, %mul3A_40 : i32
      %mul3A_42 = arith.constant 786432 : i32
      %mul3A_43 = arith.muli %select_n3A, %mul3A_42 : i32
      %add3A_44 = arith.addi %mul3A_43, %add3A_41 : i32
      "tpu.region"() ({
        %run_scoped3A = tpu.sem_alloc : memref<!tpu.dma_semaphore, #tpu.memory_space<semaphore_mem>>
        %dma_start3A_87 = tpu.memref_slice %arg2[%add3A_44] : memref<3145728xf32, #tpu.memory_space<hbm>> -> memref<4096xf32, #tpu.memory_space<hbm>>
        %dma_start3A_88 = tpu.memref_slice %arg2[%add3A_44] : memref<3145728xf32, #tpu.memory_space<hbm>> -> memref<4096xf32, #tpu.memory_space<hbm>>
        tpu.enqueue_dma source(%dma_start3A_88 : memref<4096xf32, #tpu.memory_space<hbm>>) target(%arg5 : memref<4096xf32, #tpu.memory_space<vmem>>) target_semaphore(%run_scoped3A : memref<!tpu.dma_semaphore, #tpu.memory_space<semaphore_mem>>)
        %dma_wait3A_89 = tpu.memref_slice %arg2[%add3A_44] : memref<3145728xf32, #tpu.memory_space<hbm>> -> memref<4096xf32, #tpu.memory_space<hbm>>
        %dma_wait3A_90 = tpu.memref_slice %arg2[%add3A_44] : memref<3145728xf32, #tpu.memory_space<hbm>> -> memref<4096xf32, #tpu.memory_space<hbm>>
        tpu.wait_dma2 semaphore(%run_scoped3A : memref<!tpu.dma_semaphore, #tpu.memory_space<semaphore_mem>>) src(%dma_wait3A_90 : memref<4096xf32, #tpu.memory_space<hbm>>) dst(%arg5 : memref<4096xf32, #tpu.memory_space<vmem>>)
        tpu.yield
      }) : () -> ()
      %add3A_45 = arith.constant 262144 : i32
      %add3A_46 = arith.addi %add3A_44, %add3A_45 : i32
      "tpu.region"() ({
        %run_scoped3A = tpu.sem_alloc : memref<!tpu.dma_semaphore, #tpu.memory_space<semaphore_mem>>
        %dma_start3A_87 = tpu.memref_slice %arg2[%add3A_46] : memref<3145728xf32, #tpu.memory_space<hbm>> -> memref<4096xf32, #tpu.memory_space<hbm>>
        %dma_start3A_88 = tpu.memref_slice %arg2[%add3A_46] : memref<3145728xf32, #tpu.memory_space<hbm>> -> memref<4096xf32, #tpu.memory_space<hbm>>
        tpu.enqueue_dma source(%dma_start3A_88 : memref<4096xf32, #tpu.memory_space<hbm>>) target(%arg6 : memref<4096xf32, #tpu.memory_space<vmem>>) target_semaphore(%run_scoped3A : memref<!tpu.dma_semaphore, #tpu.memory_space<semaphore_mem>>)
        %dma_wait3A_89 = tpu.memref_slice %arg2[%add3A_46] : memref<3145728xf32, #tpu.memory_space<hbm>> -> memref<4096xf32, #tpu.memory_space<hbm>>
        %dma_wait3A_90 = tpu.memref_slice %arg2[%add3A_46] : memref<3145728xf32, #tpu.memory_space<hbm>> -> memref<4096xf32, #tpu.memory_space<hbm>>
        tpu.wait_dma2 semaphore(%run_scoped3A : memref<!tpu.dma_semaphore, #tpu.memory_space<semaphore_mem>>) src(%dma_wait3A_90 : memref<4096xf32, #tpu.memory_space<hbm>>) dst(%arg6 : memref<4096xf32, #tpu.memory_space<vmem>>)
        tpu.yield
      }) : () -> ()
      %add3A_47 = arith.constant 524288 : i32
      %add3A_48 = arith.addi %add3A_44, %add3A_47 : i32
      "tpu.region"() ({
        %run_scoped3A = tpu.sem_alloc : memref<!tpu.dma_semaphore, #tpu.memory_space<semaphore_mem>>
        %dma_start3A_87 = tpu.memref_slice %arg2[%add3A_48] : memref<3145728xf32, #tpu.memory_space<hbm>> -> memref<4096xf32, #tpu.memory_space<hbm>>
        %dma_start3A_88 = tpu.memref_slice %arg2[%add3A_48] : memref<3145728xf32, #tpu.memory_space<hbm>> -> memref<4096xf32, #tpu.memory_space<hbm>>
        tpu.enqueue_dma source(%dma_start3A_88 : memref<4096xf32, #tpu.memory_space<hbm>>) target(%arg7 : memref<4096xf32, #tpu.memory_space<vmem>>) target_semaphore(%run_scoped3A : memref<!tpu.dma_semaphore, #tpu.memory_space<semaphore_mem>>)
        %dma_wait3A_89 = tpu.memref_slice %arg2[%add3A_48] : memref<3145728xf32, #tpu.memory_space<hbm>> -> memref<4096xf32, #tpu.memory_space<hbm>>
        %dma_wait3A_90 = tpu.memref_slice %arg2[%add3A_48] : memref<3145728xf32, #tpu.memory_space<hbm>> -> memref<4096xf32, #tpu.memory_space<hbm>>
        tpu.wait_dma2 semaphore(%run_scoped3A : memref<!tpu.dma_semaphore, #tpu.memory_space<semaphore_mem>>) src(%dma_wait3A_90 : memref<4096xf32, #tpu.memory_space<hbm>>) dst(%arg7 : memref<4096xf32, #tpu.memory_space<vmem>>)
        tpu.yield
      }) : () -> ()
      %scan3A_49 = arith.constant 0 : i32
      %scan3A_50 = arith.constant 0 : i32
      %scan3A_51 = arith.constant 256 : i32
      %scan3A_52 = arith.addi %scan3A_50, %scan3A_51 : i32
      %scan3A_53 = arith.constant 1 : i32
      scf.for %scan3A_87 = %scan3A_50 to %scan3A_52 step %scan3A_53  : i32 {
        %mul3A_88 = arith.constant 16 : i32
        %mul3A_89 = arith.muli %scan3A_87, %mul3A_88 : i32
        %get3A = arith.index_cast %mul3A_89 : i32 to index
        %get3A_90 = tpu.vector_load %arg5[%get3A] {strides = array<i32>} : memref<4096xf32, #tpu.memory_space<vmem>>, vector<16xf32>,
        %get3A_91 = vector.shape_cast %get3A_90 : vector<16xf32> to vector<16xf32>
        %mul3A_92 = arith.constant 6.553600e+04 : f32
        %mul3A_93 = vector.broadcast %mul3A_92 : f32 to vector<16xf32>
        %mul3A_94 = arith.mulf %get3A_91, %mul3A_93 : vector<16xf32>
        %get3A_95 = arith.index_cast %mul3A_89 : i32 to index
        %get3A_96 = tpu.vector_load %arg6[%get3A_95] {strides = array<i32>} : memref<4096xf32, #tpu.memory_space<vmem>>, vector<16xf32>,
        %get3A_97 = vector.shape_cast %get3A_96 : vector<16xf32> to vector<16xf32>
        %mul3A_98 = arith.constant 2.560000e+02 : f32
        %mul3A_99 = vector.broadcast %mul3A_98 : f32 to vector<16xf32>
        %mul3A_100 = arith.mulf %get3A_97, %mul3A_99 : vector<16xf32>
        %add3A_101 = arith.addf %mul3A_94, %mul3A_100 : vector<16xf32>
        %get3A_102 = arith.index_cast %mul3A_89 : i32 to index
        %get3A_103 = tpu.vector_load %arg7[%get3A_102] {strides = array<i32>} : memref<4096xf32, #tpu.memory_space<vmem>>, vector<16xf32>,
        %get3A_104 = vector.shape_cast %get3A_103 : vector<16xf32> to vector<16xf32>
        %add3A_105 = arith.addf %add3A_101, %get3A_104 : vector<16xf32>
        %convert_element_type3A = arith.fptosi %add3A_105 : vector<16xf32> to vector<16xi32>
        %swap3A = arith.index_cast %mul3A_89 : i32 to index
        %swap3A_106 = tpu.vector_load %arg8[%swap3A] {strides = array<i32>} : memref<4096xi32, #tpu.memory_space<vmem>>, vector<16xi32>,
        %swap3A_107 = vector.shape_cast %swap3A_106 : vector<16xi32> to vector<16xi32>
        %swap3A_108 = vector.shape_cast %convert_element_type3A : vector<16xi32> to vector<16xi32>
        tpu.vector_store %arg8[%swap3A], %swap3A_108 {strides = array<i32>} : memref<4096xi32, #tpu.memory_space<vmem>>, vector<16xi32>,
        %add3A_109 = arith.constant 16777216 : i32
        %add3A_110 = vector.broadcast %add3A_109 : i32 to vector<16xi32>
        %add3A_111 = arith.addi %convert_element_type3A, %add3A_110 : vector<16xi32>
        %swap3A_112 = arith.index_cast %mul3A_89 : i32 to index
        %swap3A_113 = tpu.vector_load %arg9[%swap3A_112] {strides = array<i32>} : memref<4096xi32, #tpu.memory_space<vmem>>, vector<16xi32>,
        %swap3A_114 = vector.shape_cast %swap3A_113 : vector<16xi32> to vector<16xi32>
        %swap3A_115 = vector.shape_cast %add3A_111 : vector<16xi32> to vector<16xi32>
        tpu.vector_store %arg9[%swap3A_112], %swap3A_115 {strides = array<i32>} : memref<4096xi32, #tpu.memory_space<vmem>>, vector<16xi32>,
        %add3A_116 = arith.constant 33554432 : i32
        %add3A_117 = vector.broadcast %add3A_116 : i32 to vector<16xi32>
        %add3A_118 = arith.addi %convert_element_type3A, %add3A_117 : vector<16xi32>
        %swap3A_119 = arith.index_cast %mul3A_89 : i32 to index
        %swap3A_120 = tpu.vector_load %arg10[%swap3A_119] {strides = array<i32>} : memref<4096xi32, #tpu.memory_space<vmem>>, vector<16xi32>,
        %swap3A_121 = vector.shape_cast %swap3A_120 : vector<16xi32> to vector<16xi32>
        %swap3A_122 = vector.shape_cast %add3A_118 : vector<16xi32> to vector<16xi32>
        tpu.vector_store %arg10[%swap3A_119], %swap3A_122 {strides = array<i32>} : memref<4096xi32, #tpu.memory_space<vmem>>, vector<16xi32>,
        %add3A_123 = arith.constant 50331648 : i32
        %add3A_124 = vector.broadcast %add3A_123 : i32 to vector<16xi32>
        %add3A_125 = arith.addi %convert_element_type3A, %add3A_124 : vector<16xi32>
        %swap3A_126 = arith.index_cast %mul3A_89 : i32 to index
        %swap3A_127 = tpu.vector_load %arg11[%swap3A_126] {strides = array<i32>} : memref<4096xi32, #tpu.memory_space<vmem>>, vector<16xi32>,
        %swap3A_128 = vector.shape_cast %swap3A_127 : vector<16xi32> to vector<16xi32>
        %swap3A_129 = vector.shape_cast %add3A_125 : vector<16xi32> to vector<16xi32>
        tpu.vector_store %arg11[%swap3A_126], %swap3A_129 {strides = array<i32>} : memref<4096xi32, #tpu.memory_space<vmem>>, vector<16xi32>,
        %add3A_130 = arith.constant 67108864 : i32
        %add3A_131 = vector.broadcast %add3A_130 : i32 to vector<16xi32>
        %add3A_132 = arith.addi %convert_element_type3A, %add3A_131 : vector<16xi32>
        %swap3A_133 = arith.index_cast %mul3A_89 : i32 to index
        %swap3A_134 = tpu.vector_load %arg12[%swap3A_133] {strides = array<i32>} : memref<4096xi32, #tpu.memory_space<vmem>>, vector<16xi32>,
        %swap3A_135 = vector.shape_cast %swap3A_134 : vector<16xi32> to vector<16xi32>
        %swap3A_136 = vector.shape_cast %add3A_132 : vector<16xi32> to vector<16xi32>
        tpu.vector_store %arg12[%swap3A_133], %swap3A_136 {strides = array<i32>} : memref<4096xi32, #tpu.memory_space<vmem>>, vector<16xi32>,
        %add3A_137 = arith.constant 83886080 : i32
        %add3A_138 = vector.broadcast %add3A_137 : i32 to vector<16xi32>
        %add3A_139 = arith.addi %convert_element_type3A, %add3A_138 : vector<16xi32>
        %swap3A_140 = arith.index_cast %mul3A_89 : i32 to index
        %swap3A_141 = tpu.vector_load %arg13[%swap3A_140] {strides = array<i32>} : memref<4096xi32, #tpu.memory_space<vmem>>, vector<16xi32>,
        %swap3A_142 = vector.shape_cast %swap3A_141 : vector<16xi32> to vector<16xi32>
        %swap3A_143 = vector.shape_cast %add3A_139 : vector<16xi32> to vector<16xi32>
        tpu.vector_store %arg13[%swap3A_140], %swap3A_143 {strides = array<i32>} : memref<4096xi32, #tpu.memory_space<vmem>>, vector<16xi32>,
      }
      %scan3A_54 = arith.constant 256 : i32
      %dma_start3A = arith.constant 0 : i32
      %dma_start3A_55 = tpu.memref_slice %arg3[%dma_start3A] : memref<100663296xf32, #tpu.memory_space<hbm>> -> memref<100663296xf32, #tpu.memory_space<hbm>>
      tpu.enqueue_indirect_dma source(%dma_start3A_55 : memref<100663296xf32, #tpu.memory_space<hbm>>) target(%arg14 : memref<4096xf32, #tpu.memory_space<vmem>>) offsets(%arg8 : memref<4096xi32, #tpu.memory_space<vmem>>) semaphore(%arg20 : memref<!tpu.dma_semaphore, #tpu.memory_space<semaphore_mem>>)
      %dma_start3A_56 = arith.constant 0 : i32
      %dma_start3A_57 = tpu.memref_slice %arg3[%dma_start3A_56] : memref<100663296xf32, #tpu.memory_space<hbm>> -> memref<100663296xf32, #tpu.memory_space<hbm>>
      tpu.enqueue_indirect_dma source(%dma_start3A_57 : memref<100663296xf32, #tpu.memory_space<hbm>>) target(%arg15 : memref<4096xf32, #tpu.memory_space<vmem>>) offsets(%arg9 : memref<4096xi32, #tpu.memory_space<vmem>>) semaphore(%arg20 : memref<!tpu.dma_semaphore, #tpu.memory_space<semaphore_mem>>)
      %dma_start3A_58 = arith.constant 0 : i32
      %dma_start3A_59 = tpu.memref_slice %arg3[%dma_start3A_58] : memref<100663296xf32, #tpu.memory_space<hbm>> -> memref<100663296xf32, #tpu.memory_space<hbm>>
      tpu.enqueue_indirect_dma source(%dma_start3A_59 : memref<100663296xf32, #tpu.memory_space<hbm>>) target(%arg16 : memref<4096xf32, #tpu.memory_space<vmem>>) offsets(%arg10 : memref<4096xi32, #tpu.memory_space<vmem>>) semaphore(%arg20 : memref<!tpu.dma_semaphore, #tpu.memory_space<semaphore_mem>>)
      %dma_start3A_60 = arith.constant 0 : i32
      %dma_start3A_61 = tpu.memref_slice %arg3[%dma_start3A_60] : memref<100663296xf32, #tpu.memory_space<hbm>> -> memref<100663296xf32, #tpu.memory_space<hbm>>
      tpu.enqueue_indirect_dma source(%dma_start3A_61 : memref<100663296xf32, #tpu.memory_space<hbm>>) target(%arg17 : memref<4096xf32, #tpu.memory_space<vmem>>) offsets(%arg11 : memref<4096xi32, #tpu.memory_space<vmem>>) semaphore(%arg20 : memref<!tpu.dma_semaphore, #tpu.memory_space<semaphore_mem>>)
      %dma_start3A_62 = arith.constant 0 : i32
      %dma_start3A_63 = tpu.memref_slice %arg3[%dma_start3A_62] : memref<100663296xf32, #tpu.memory_space<hbm>> -> memref<100663296xf32, #tpu.memory_space<hbm>>
      tpu.enqueue_indirect_dma source(%dma_start3A_63 : memref<100663296xf32, #tpu.memory_space<hbm>>) target(%arg18 : memref<4096xf32, #tpu.memory_space<vmem>>) offsets(%arg12 : memref<4096xi32, #tpu.memory_space<vmem>>) semaphore(%arg20 : memref<!tpu.dma_semaphore, #tpu.memory_space<semaphore_mem>>)
      %dma_start3A_64 = arith.constant 0 : i32
      %dma_start3A_65 = tpu.memref_slice %arg3[%dma_start3A_64] : memref<100663296xf32, #tpu.memory_space<hbm>> -> memref<100663296xf32, #tpu.memory_space<hbm>>
      tpu.enqueue_indirect_dma source(%dma_start3A_65 : memref<100663296xf32, #tpu.memory_space<hbm>>) target(%arg19 : memref<4096xf32, #tpu.memory_space<vmem>>) offsets(%arg13 : memref<4096xi32, #tpu.memory_space<vmem>>) semaphore(%arg20 : memref<!tpu.dma_semaphore, #tpu.memory_space<semaphore_mem>>)
      %dma_wait3A = arith.constant 0 : i32
      %dma_wait3A_66 = tpu.memref_slice %arg3[%dma_wait3A] : memref<100663296xf32, #tpu.memory_space<hbm>> -> memref<100663296xf32, #tpu.memory_space<hbm>>
      tpu.wait_indirect_dma semaphore(%arg20 : memref<!tpu.dma_semaphore, #tpu.memory_space<semaphore_mem>>) src(%dma_wait3A_66 : memref<100663296xf32, #tpu.memory_space<hbm>>) dst(%arg14 : memref<4096xf32, #tpu.memory_space<vmem>>)
      %dma_wait3A_67 = arith.constant 0 : i32
      %dma_wait3A_68 = tpu.memref_slice %arg3[%dma_wait3A_67] : memref<100663296xf32, #tpu.memory_space<hbm>> -> memref<100663296xf32, #tpu.memory_space<hbm>>
      tpu.wait_indirect_dma semaphore(%arg20 : memref<!tpu.dma_semaphore, #tpu.memory_space<semaphore_mem>>) src(%dma_wait3A_68 : memref<100663296xf32, #tpu.memory_space<hbm>>) dst(%arg15 : memref<4096xf32, #tpu.memory_space<vmem>>)
      %dma_wait3A_69 = arith.constant 0 : i32
      %dma_wait3A_70 = tpu.memref_slice %arg3[%dma_wait3A_69] : memref<100663296xf32, #tpu.memory_space<hbm>> -> memref<100663296xf32, #tpu.memory_space<hbm>>
      tpu.wait_indirect_dma semaphore(%arg20 : memref<!tpu.dma_semaphore, #tpu.memory_space<semaphore_mem>>) src(%dma_wait3A_70 : memref<100663296xf32, #tpu.memory_space<hbm>>) dst(%arg16 : memref<4096xf32, #tpu.memory_space<vmem>>)
      %dma_wait3A_71 = arith.constant 0 : i32
      %dma_wait3A_72 = tpu.memref_slice %arg3[%dma_wait3A_71] : memref<100663296xf32, #tpu.memory_space<hbm>> -> memref<100663296xf32, #tpu.memory_space<hbm>>
      tpu.wait_indirect_dma semaphore(%arg20 : memref<!tpu.dma_semaphore, #tpu.memory_space<semaphore_mem>>) src(%dma_wait3A_72 : memref<100663296xf32, #tpu.memory_space<hbm>>) dst(%arg17 : memref<4096xf32, #tpu.memory_space<vmem>>)
      %dma_wait3A_73 = arith.constant 0 : i32
      %dma_wait3A_74 = tpu.memref_slice %arg3[%dma_wait3A_73] : memref<100663296xf32, #tpu.memory_space<hbm>> -> memref<100663296xf32, #tpu.memory_space<hbm>>
      tpu.wait_indirect_dma semaphore(%arg20 : memref<!tpu.dma_semaphore, #tpu.memory_space<semaphore_mem>>) src(%dma_wait3A_74 : memref<100663296xf32, #tpu.memory_space<hbm>>) dst(%arg18 : memref<4096xf32, #tpu.memory_space<vmem>>)
      %dma_wait3A_75 = arith.constant 0 : i32
      %dma_wait3A_76 = tpu.memref_slice %arg3[%dma_wait3A_75] : memref<100663296xf32, #tpu.memory_space<hbm>> -> memref<100663296xf32, #tpu.memory_space<hbm>>
      tpu.wait_indirect_dma semaphore(%arg20 : memref<!tpu.dma_semaphore, #tpu.memory_space<semaphore_mem>>) src(%dma_wait3A_76 : memref<100663296xf32, #tpu.memory_space<hbm>>) dst(%arg19 : memref<4096xf32, #tpu.memory_space<vmem>>)
      %scan3A_77 = arith.constant 0 : i32
      %scan3A_78 = arith.constant 0 : i32
      %scan3A_79 = arith.constant 256 : i32
      %scan3A_80 = arith.addi %scan3A_78, %scan3A_79 : i32
      %scan3A_81 = arith.constant 1 : i32
      scf.for %scan3A_87 = %scan3A_78 to %scan3A_80 step %scan3A_81  : i32 {
        %mul3A_88 = arith.constant 16 : i32
        %mul3A_89 = arith.muli %scan3A_87, %mul3A_88 : i32
        %get3A = arith.index_cast %mul3A_89 : i32 to index
        %get3A_90 = tpu.vector_load %arg5[%get3A] {strides = array<i32>} : memref<4096xf32, #tpu.memory_space<vmem>>, vector<16xf32>,
        %get3A_91 = vector.shape_cast %get3A_90 : vector<16xf32> to vector<16xf32>
        %get3A_92 = arith.index_cast %mul3A_89 : i32 to index
        %get3A_93 = tpu.vector_load %arg14[%get3A_92] {strides = array<i32>} : memref<4096xf32, #tpu.memory_space<vmem>>, vector<16xf32>,
        %get3A_94 = vector.shape_cast %get3A_93 : vector<16xf32> to vector<16xf32>
        %get3A_95 = arith.index_cast %mul3A_89 : i32 to index
        %get3A_96 = tpu.vector_load %arg17[%get3A_95] {strides = array<i32>} : memref<4096xf32, #tpu.memory_space<vmem>>, vector<16xf32>,
        %get3A_97 = vector.shape_cast %get3A_96 : vector<16xf32> to vector<16xf32>
        %mul3A_98 = arith.mulf %get3A_94, %get3A_91 : vector<16xf32>
        %sub3A_99 = arith.subf %get3A_97, %get3A_94 : vector<16xf32>
        %add3A_100 = arith.constant 1.000000e+00 : f32
        %add3A_101 = vector.broadcast %add3A_100 : f32 to vector<16xf32>
        %add3A_102 = arith.addf %sub3A_99, %add3A_101 : vector<16xf32>
        %mul3A_103 = arith.constant 1.270000e+02 : f32
        %mul3A_104 = vector.broadcast %mul3A_103 : f32 to vector<16xf32>
        %mul3A_105 = arith.mulf %mul3A_104, %add3A_102 : vector<16xf32>
        %add3A_106 = arith.addf %mul3A_98, %mul3A_105 : vector<16xf32>
        %swap3A = arith.index_cast %mul3A_89 : i32 to index
        %swap3A_107 = tpu.vector_load %arg5[%swap3A] {strides = array<i32>} : memref<4096xf32, #tpu.memory_space<vmem>>, vector<16xf32>,
        %swap3A_108 = vector.shape_cast %swap3A_107 : vector<16xf32> to vector<16xf32>
        %swap3A_109 = vector.shape_cast %add3A_106 : vector<16xf32> to vector<16xf32>
        tpu.vector_store %arg5[%swap3A], %swap3A_109 {strides = array<i32>} : memref<4096xf32, #tpu.memory_space<vmem>>, vector<16xf32>,
        %get3A_110 = arith.index_cast %mul3A_89 : i32 to index
        %get3A_111 = tpu.vector_load %arg6[%get3A_110] {strides = array<i32>} : memref<4096xf32, #tpu.memory_space<vmem>>, vector<16xf32>,
        %get3A_112 = vector.shape_cast %get3A_111 : vector<16xf32> to vector<16xf32>
        %get3A_113 = arith.index_cast %mul3A_89 : i32 to index
        %get3A_114 = tpu.vector_load %arg15[%get3A_113] {strides = array<i32>} : memref<4096xf32, #tpu.memory_space<vmem>>, vector<16xf32>,
        %get3A_115 = vector.shape_cast %get3A_114 : vector<16xf32> to vector<16xf32>
        %get3A_116 = arith.index_cast %mul3A_89 : i32 to index
        %get3A_117 = tpu.vector_load %arg18[%get3A_116] {strides = array<i32>} : memref<4096xf32, #tpu.memory_space<vmem>>, vector<16xf32>,
        %get3A_118 = vector.shape_cast %get3A_117 : vector<16xf32> to vector<16xf32>
        %mul3A_119 = arith.mulf %get3A_115, %get3A_112 : vector<16xf32>
        %sub3A_120 = arith.subf %get3A_118, %get3A_115 : vector<16xf32>
        %add3A_121 = arith.constant 1.000000e+00 : f32
        %add3A_122 = vector.broadcast %add3A_121 : f32 to vector<16xf32>
        %add3A_123 = arith.addf %sub3A_120, %add3A_122 : vector<16xf32>
        %mul3A_124 = arith.constant 1.270000e+02 : f32
        %mul3A_125 = vector.broadcast %mul3A_124 : f32 to vector<16xf32>
        %mul3A_126 = arith.mulf %mul3A_125, %add3A_123 : vector<16xf32>
        %add3A_127 = arith.addf %mul3A_119, %mul3A_126 : vector<16xf32>
        %swap3A_128 = arith.index_cast %mul3A_89 : i32 to index
        %swap3A_129 = tpu.vector_load %arg6[%swap3A_128] {strides = array<i32>} : memref<4096xf32, #tpu.memory_space<vmem>>, vector<16xf32>,
        %swap3A_130 = vector.shape_cast %swap3A_129 : vector<16xf32> to vector<16xf32>
        %swap3A_131 = vector.shape_cast %add3A_127 : vector<16xf32> to vector<16xf32>
        tpu.vector_store %arg6[%swap3A_128], %swap3A_131 {strides = array<i32>} : memref<4096xf32, #tpu.memory_space<vmem>>, vector<16xf32>,
        %get3A_132 = arith.index_cast %mul3A_89 : i32 to index
        %get3A_133 = tpu.vector_load %arg7[%get3A_132] {strides = array<i32>} : memref<4096xf32, #tpu.memory_space<vmem>>, vector<16xf32>,
        %get3A_134 = vector.shape_cast %get3A_133 : vector<16xf32> to vector<16xf32>
        %get3A_135 = arith.index_cast %mul3A_89 : i32 to index
        %get3A_136 = tpu.vector_load %arg16[%get3A_135] {strides = array<i32>} : memref<4096xf32, #tpu.memory_space<vmem>>, vector<16xf32>,
        %get3A_137 = vector.shape_cast %get3A_136 : vector<16xf32> to vector<16xf32>
        %get3A_138 = arith.index_cast %mul3A_89 : i32 to index
        %get3A_139 = tpu.vector_load %arg19[%get3A_138] {strides = array<i32>} : memref<4096xf32, #tpu.memory_space<vmem>>, vector<16xf32>,
        %get3A_140 = vector.shape_cast %get3A_139 : vector<16xf32> to vector<16xf32>
        %mul3A_141 = arith.mulf %get3A_137, %get3A_134 : vector<16xf32>
        %sub3A_142 = arith.subf %get3A_140, %get3A_137 : vector<16xf32>
        %add3A_143 = arith.constant 1.000000e+00 : f32
        %add3A_144 = vector.broadcast %add3A_143 : f32 to vector<16xf32>
        %add3A_145 = arith.addf %sub3A_142, %add3A_144 : vector<16xf32>
        %mul3A_146 = arith.constant 1.270000e+02 : f32
        %mul3A_147 = vector.broadcast %mul3A_146 : f32 to vector<16xf32>
        %mul3A_148 = arith.mulf %mul3A_147, %add3A_145 : vector<16xf32>
        %add3A_149 = arith.addf %mul3A_141, %mul3A_148 : vector<16xf32>
        %swap3A_150 = arith.index_cast %mul3A_89 : i32 to index
        %swap3A_151 = tpu.vector_load %arg7[%swap3A_150] {strides = array<i32>} : memref<4096xf32, #tpu.memory_space<vmem>>, vector<16xf32>,
        %swap3A_152 = vector.shape_cast %swap3A_151 : vector<16xf32> to vector<16xf32>
        %swap3A_153 = vector.shape_cast %add3A_149 : vector<16xf32> to vector<16xf32>
        tpu.vector_store %arg7[%swap3A_150], %swap3A_153 {strides = array<i32>} : memref<4096xf32, #tpu.memory_space<vmem>>, vector<16xf32>,
      }
      %scan3A_82 = arith.constant 256 : i32
      "tpu.region"() ({
        %run_scoped3A = tpu.sem_alloc : memref<!tpu.dma_semaphore, #tpu.memory_space<semaphore_mem>>
        %dma_start3A_87 = tpu.memref_slice %arg4[%add3A_44] : memref<3145728xf32, #tpu.memory_space<hbm>> -> memref<4096xf32, #tpu.memory_space<hbm>>
        %dma_start3A_88 = tpu.memref_slice %arg4[%add3A_44] : memref<3145728xf32, #tpu.memory_space<hbm>> -> memref<4096xf32, #tpu.memory_space<hbm>>
        tpu.enqueue_dma source(%arg5 : memref<4096xf32, #tpu.memory_space<vmem>>) target(%dma_start3A_88 : memref<4096xf32, #tpu.memory_space<hbm>>) target_semaphore(%run_scoped3A : memref<!tpu.dma_semaphore, #tpu.memory_space<semaphore_mem>>)
        %dma_wait3A_89 = tpu.memref_slice %arg4[%add3A_44] : memref<3145728xf32, #tpu.memory_space<hbm>> -> memref<4096xf32, #tpu.memory_space<hbm>>
        %dma_wait3A_90 = tpu.memref_slice %arg4[%add3A_44] : memref<3145728xf32, #tpu.memory_space<hbm>> -> memref<4096xf32, #tpu.memory_space<hbm>>
        tpu.wait_dma2 semaphore(%run_scoped3A : memref<!tpu.dma_semaphore, #tpu.memory_space<semaphore_mem>>) src(%arg5 : memref<4096xf32, #tpu.memory_space<vmem>>) dst(%dma_wait3A_90 : memref<4096xf32, #tpu.memory_space<hbm>>)
        tpu.yield
      }) : () -> ()
      %add3A_83 = arith.constant 262144 : i32
      %add3A_84 = arith.addi %add3A_44, %add3A_83 : i32
      "tpu.region"() ({
        %run_scoped3A = tpu.sem_alloc : memref<!tpu.dma_semaphore, #tpu.memory_space<semaphore_mem>>
        %dma_start3A_87 = tpu.memref_slice %arg4[%add3A_84] : memref<3145728xf32, #tpu.memory_space<hbm>> -> memref<4096xf32, #tpu.memory_space<hbm>>
        %dma_start3A_88 = tpu.memref_slice %arg4[%add3A_84] : memref<3145728xf32, #tpu.memory_space<hbm>> -> memref<4096xf32, #tpu.memory_space<hbm>>
        tpu.enqueue_dma source(%arg6 : memref<4096xf32, #tpu.memory_space<vmem>>) target(%dma_start3A_88 : memref<4096xf32, #tpu.memory_space<hbm>>) target_semaphore(%run_scoped3A : memref<!tpu.dma_semaphore, #tpu.memory_space<semaphore_mem>>)
        %dma_wait3A_89 = tpu.memref_slice %arg4[%add3A_84] : memref<3145728xf32, #tpu.memory_space<hbm>> -> memref<4096xf32, #tpu.memory_space<hbm>>
        %dma_wait3A_90 = tpu.memref_slice %arg4[%add3A_84] : memref<3145728xf32, #tpu.memory_space<hbm>> -> memref<4096xf32, #tpu.memory_space<hbm>>
        tpu.wait_dma2 semaphore(%run_scoped3A : memref<!tpu.dma_semaphore, #tpu.memory_space<semaphore_mem>>) src(%arg6 : memref<4096xf32, #tpu.memory_space<vmem>>) dst(%dma_wait3A_90 : memref<4096xf32, #tpu.memory_space<hbm>>)
        tpu.yield
      }) : () -> ()
      %add3A_85 = arith.constant 524288 : i32
      %add3A_86 = arith.addi %add3A_44, %add3A_85 : i32
      "tpu.region"() ({
        %run_scoped3A = tpu.sem_alloc : memref<!tpu.dma_semaphore, #tpu.memory_space<semaphore_mem>>
        %dma_start3A_87 = tpu.memref_slice %arg4[%add3A_86] : memref<3145728xf32, #tpu.memory_space<hbm>> -> memref<4096xf32, #tpu.memory_space<hbm>>
        %dma_start3A_88 = tpu.memref_slice %arg4[%add3A_86] : memref<3145728xf32, #tpu.memory_space<hbm>> -> memref<4096xf32, #tpu.memory_space<hbm>>
        tpu.enqueue_dma source(%arg7 : memref<4096xf32, #tpu.memory_space<vmem>>) target(%dma_start3A_88 : memref<4096xf32, #tpu.memory_space<hbm>>) target_semaphore(%run_scoped3A : memref<!tpu.dma_semaphore, #tpu.memory_space<semaphore_mem>>)
        %dma_wait3A_89 = tpu.memref_slice %arg4[%add3A_86] : memref<3145728xf32, #tpu.memory_space<hbm>> -> memref<4096xf32, #tpu.memory_space<hbm>>
        %dma_wait3A_90 = tpu.memref_slice %arg4[%add3A_86] : memref<3145728xf32, #tpu.memory_space<hbm>> -> memref<4096xf32, #tpu.memory_space<hbm>>
        tpu.wait_dma2 semaphore(%run_scoped3A : memref<!tpu.dma_semaphore, #tpu.memory_space<semaphore_mem>>) src(%arg7 : memref<4096xf32, #tpu.memory_space<vmem>>) dst(%dma_wait3A_90 : memref<4096xf32, #tpu.memory_space<hbm>>)
        tpu.yield
      }) : () -> ()
    }
    %scan3A_37 = arith.constant 8 : i32
    return
  }
}

</mosaic_0001>

<sc_bundles>
// kernel: kernel.3.cloned.1.call-start
scs
__scs_entry_jumppad:
0x0: {  	(pc) =	sbr.rel $0x88, $3  }
0x1: {  	(tag) =	ssettag $0x0;
	lr =	simm.s32 $0x1  }
0x2: {  	[smem:$0x3F9E] =	sst lr;
	_ =	strace $0xD0000000  }
0x3: {  	_ = 	snop  }
0x4: {  	_ = 	snop  }
0x5: {  	_ = 	snop  }
0x6: {  	_ = 	snop  }
0x7: {  	_ = 	snop  }
__scs_overlays_trampoline_lowered:
0x8: {  	[smem:$0x3FAD] =	sst s0  }
0x9: {  	[smem:$0x3FAE] =	sst s1  }
0xa: {  	[smem:$0x3FAF] =	sst s2  }
0xb: {  	[smem:$0x3FB0] =	sst s3  }
0xc: {  	[smem:$0x3FB1] =	sst s4  }
0xd: {  	[smem:$0x3FB2] =	sst s5  }
0xe: {  	[smem:$0x3FB3] =	sst s6  }
0xf: {  	[smem:$0x3FB4] =	sst s7  }
0x10: {  	[smem:$0x3FB5] =	sst s8  }
0x11: {  	[smem:$0x3FB6] =	sst s9;
	s0 =	simm.s32 @!p0 $0x0  }
0x12: {  	s1 =	sld [smem:$0x3F9C];
	s0 =	simm.s32 @p0 $0x1  }
0x13: {  	[smem:$0x3FB7] =	sst s0;
	s0 =	simm.s32 @!p1 $0x0  }
0x14: {  	s2 =	sld [smem:$0x3F9B];
	s0 =	simm.s32 @p1 $0x1  }
0x15: {  	[smem:$0x3FB8] =	sst s0;
	s0 =	simm.s32 @!p2 $0x0  }
0x16: {  	s3 =	sld [smem:$0x3FDB];
	s0 =	simm.s32 @p2 $0x1  }
0x17: {  	s4 =	simm.s32 $0x1BF5;
	[smem:$0x3FBA] =	sst s0  }
0x18: {  	s0 =	sld [smem:$0x3F9D];
	_ =	swait.ge [sflag:s4], $0x0  }
0x19: {  	s7 =	sld [smem:$0x3F9E]  }
0x1a: {  	s8 =	sadd.s32 $0xFFFFE003, lr  }
0x1b: {  	s9 =	sadd.s32 $0xFFFFFEF7, lr;
	s5 =	simm.s32 $0xFFFFFFFF;
	p2 =	slt.u32 s8, $0xFFFFF086  }
0x1c: {  	p1 =	slt.u32 s9, $0xF7A;
	s5 =	simm.s32 @!p2 $0x0  }
0x1d: {  	s5 =	simm.s32 @p1 $0x1;
	p0 =	seq.s32 s7, s2  }
0x1e: {  	s7 =	smul.u32 @!p0 $0xF7A, s2;
	p2 =	seq.s32 @!p0 s5, $0x0  }
0x1f: {  	s9 =	smul.u32 $0xF7A, s1;
	s8 =	simm.s32 @!p0 $0x1BF5;
	p2 =	por !p2, p0  }
0x20: {  	[sflag:s8] =	ssyncset.s32 @!p0 $0xFFFFF086;
	s6 =	sadd.s32 @!p0 s3, s7;
	s7 =	simm.s32 @!p0 $0x108  }
0x21: {  	s3 =	sadd.s32 s3, s9;
	s6 =	sadd.s32 @!p0 $0x88, s6;
	s7 =	simm.s32 @p2 $0x1082  }
0x22: {  	[simem:s7], [sflag:s8] =	dma.local @!p0 [hbm:s6], $0xF7A  }
0x23: {  	s9 =	sor.u32 $0xD0000000, s2;
	s6 =	simm.s32 $0x108;
	_ =	swait.ge @!p0 [sflag:s8], $0x0  }
0x24: {  	s3 =	sadd.s32 $0x88, s3;
	s6 =	simm.s32 @!p1 $0x1082;
	[sflag:s4] =	ssyncset.s32 $0xFFFFF086  }
0x25: {  	[simem:s6], [sflag:s4] =	dma.local [hbm:s3], $0xF7A  }
0x26: {  	[smem:$0x3F9E] =	sst s1;
	(tag) =	ssettag s2;
	_ =	strace s9  }
0x27: {  	s1 =	sld [smem:$0x3FAE]  }
0x28: {  	s2 =	sld [smem:$0x3FAF]  }
0x29: {  	s4 =	sld [smem:$0x3FB1]  }
0x2a: {  	p0 =	seq.s32 s5, $0x0;
	s5 =	sld [smem:$0x3FB2]  }
0x2b: {  	s6 =	sld [smem:$0x3FB3]  }
0x2c: {  	s7 =	sld [smem:$0x3FB4]  }
0x2d: {  	s3 =	simm.s32 $0x108;
	s8 =	sld [smem:$0x3FB5]  }
0x2e: {  	s3 =	simm.s32 @!p0 $0x1082;
	s9 =	sld [smem:$0x3FB6]  }
0x2f: {  	lr =	sadd.s32 s0, s3;
	s0 =	sld [smem:$0x3FAD]  }
0x30: {  	s3 =	sld [smem:$0x3FB0]  }
0x31: {  	[smem:$0x3FB9] =	sst s10  }
0x32: {  	s10 =	sld [smem:$0x3FB7];
	_ =	sdelay $0x3  }
0x33: {  	p0 =	seq.s32 s10, $0x1;
	s10 =	sld [smem:$0x3FB9];
	_ =	sdelay $0x3  }
0x34: {  	[smem:$0x3FB9] =	sst s10  }
0x35: {  	s10 =	sld [smem:$0x3FB8];
	_ =	sdelay $0x3  }
0x36: {  	p1 =	seq.s32 s10, $0x1;
	s10 =	sld [smem:$0x3FB9];
	_ =	sdelay $0x3  }
0x37: {  	[smem:$0x3FB9] =	sst s10  }
0x38: {  	s10 =	sld [smem:$0x3FBA]  }
0x39: {  	_ = 	snop;
	(pc) =	sbr.ind lr, $3  }
0x3a: {  	_ = 	snop  }
0x3b: {  	_ = 	snop  }
0x3c: {  	p2 =	seq.s32 s10, $0x1;
	s10 =	sld [smem:$0x3FB9]  }
0x3d: {  	_ =	shalt  }
0x3e: {  	_ =	shalt  }
0x3f: {  	_ =	shalt  }
0x40: {  	_ =	shalt  }
0x41: {  	_ =	shalt  }
0x42: {  	_ =	shalt  }
0x43: {  	_ =	shalt  }
0x44: {  	_ =	shalt  }
0x45: {  	_ =	shalt  }
0x46: {  	_ =	shalt  }
0x47: {  	_ =	shalt  }
0x48: {  	_ =	shalt  }
0x49: {  	_ =	shalt  }
0x4a: {  	_ =	shalt  }
0x4b: {  	_ =	shalt  }
0x4c: {  	_ =	shalt  }
0x4d: {  	_ =	shalt  }
0x4e: {  	_ =	shalt  }
0x4f: {  	_ =	shalt  }
0x50: {  	_ =	shalt  }
0x51: {  	_ =	shalt  }
0x52: {  	_ =	shalt  }
0x53: {  	_ =	shalt  }
0x54: {  	_ =	shalt  }
0x55: {  	_ =	shalt  }
0x56: {  	_ =	shalt  }
0x57: {  	_ =	shalt  }
0x58: {  	_ =	shalt  }
0x59: {  	_ =	shalt  }
0x5a: {  	_ =	shalt  }
0x5b: {  	_ =	shalt  }
0x5c: {  	_ =	shalt  }
0x5d: {  	_ =	shalt  }
0x5e: {  	_ =	shalt  }
0x5f: {  	_ =	shalt  }
0x60: {  	_ =	shalt  }
0x61: {  	_ =	shalt  }
0x62: {  	_ =	shalt  }
0x63: {  	_ =	shalt  }
0x64: {  	_ =	shalt  }
0x65: {  	_ =	shalt  }
0x66: {  	_ =	shalt  }
0x67: {  	_ =	shalt  }
0x68: {  	_ =	shalt  }
0x69: {  	_ =	shalt  }
0x6a: {  	_ =	shalt  }
0x6b: {  	_ =	shalt  }
0x6c: {  	_ =	shalt  }
0x6d: {  	_ =	shalt  }
0x6e: {  	_ =	shalt  }
0x6f: {  	_ =	shalt  }
0x70: {  	_ =	shalt  }
0x71: {  	_ =	shalt  }
0x72: {  	_ =	shalt  }
0x73: {  	_ =	shalt  }
0x74: {  	_ =	shalt  }
0x75: {  	_ =	shalt  }
0x76: {  	_ =	shalt  }
0x77: {  	_ =	shalt  }
0x78: {  	_ =	shalt  }
0x79: {  	_ =	shalt  }
0x7a: {  	_ =	shalt  }
0x7b: {  	_ =	shalt  }
0x7c: {  	_ =	shalt  }
0x7d: {  	_ =	shalt  }
0x7e: {  	_ =	shalt  }
0x7f: {  	_ =	shalt  }
0x80: {  	_ =	shalt  }
0x81: {  	_ =	shalt  }
0x82: {  	_ =	shalt  }
0x83: {  	_ =	shalt  }
0x84: {  	_ =	shalt  }
0x85: {  	_ =	shalt  }
0x86: {  	_ =	shalt  }
0x87: {  	_ =	shalt  }
.Lfunc_end0:
.L_simem_size_0:
called_computation_lowered:
.L_overlay_start_0:
0x88: {  	s2 =	sld [smem:$0x3FD9]  }
0x89: {  	s3 =	sld [smem:$0x3FFE];
	_ =	sdelay $0x1  }
0x8a: {  	s1 =	srdreg.scid  }
0x8b: {  	s0 =	sand.u32 $0x1, s1  }
0x8c: {  	s17 =	sshll.u32 s0, $0xA;
	s2 =	sadd.s32 s3, s2  }
0x8d: {  	s2 =	sadd.s32 s2, s17  }
0x8e: {  	[smem:$0x3FC5] =	sst s2  }
0x8f: {  	_ = 	snop  }
0x90: {  	s2 =	sld [smem:$0x3FD0];
	(tm) =	ssettm $0x1  }
0x91: {  	s18 =	sld [smem:$0x3FFB];
	_ =	sdelay $0x3  }
0x92: {  	_ =	strace s18  }
0x93: {  	s3 =	sld [smem:$0x3FFC];
	_ =	sdelay $0x3  }
0x94: {  	_ =	strace s3  }
0x95: {  	s3 =	sld [smem:$0x3FFD];
	_ =	sdelay $0x3  }
0x96: {  	_ =	strace s3  }
0x97: {  	_ =	strace $0x8FFFFFFF  }
0x98: {  	s19 =	sld [smem:$0x3FDB];
	_ =	sdelay $0x1  }
0x99: {  	s4 =	simm.s32 $_scs_section_size  }
0x9a: {  	s5 =	simm.s32 $_size__tile_overlayer_lowered;
	s6 =	simm.s32 $_tile_overlayer_lowered  }
0x9b: {  	s22 =	simm.s32 $0x1BFF;
	s21 =	sshll.u32 s6, $0x1;
	s3 =	sadd.s32 s4, s19  }
0x9c: {  	s7 =	simm.s32 $0x0;
	s20 =	sshll.u32 s5, $0x1;
	s5 =	sadd.s32 s21, s3  }
0x9d: {  	[timem:s7], [sflag:s22] =	dma.local [hbm:s5], s20  }
0x9e: {  	_ =	swait.ge [sflag:s22], s20  }
0x9f: {  	s4 =	ssub.s32 $0x0, s20;
	[sflag:s22] =	ssyncset.done $0x0  }
0xa0: {  	[sflag:s22] =	ssyncadd.s32 s4;
	_ =	sdelay $0x1  }
0xa1: {  	s23 =	simm.s32 $0x1B8B  }
0xa2: {  	_ =	swait.ge [sflag:s23], $0x1  }
0xa3: {  	[sflag:s23] =	ssyncset.done $0x0  }
0xa4: {  	s25 =	simm.s32 $0x1B8E;
	s24 =	sld [smem:$0x3FFE];
	[sflag:s23] =	ssyncadd.s32 $0xFFFFFFFF  }
0xa5: {  	s26 =	simm.s32 $execute0_lowered;
	[smem:$0x3FD2] =	sst s25  }
0xa6: {  	s5 =	sshll.u32 s26, $0x1;
	_ =	strace $0x80000046;
	[dreg:$0x1] =	wrdreg $0xFFFFFFFF  }
0xa7: {  	s28 =	simm.s32 $_size_execute0_lowered;
	s3 =	sadd.s32 s3, s5;
	[dreg:$0x0] =	wrdreg $0x0  }
0xa8: {  	s5 =	sshll.u32 s28, $0x1;
	[dreg:$0x2] =	wrdreg s3  }
0xa9: {  	[dreg:$0x3] =	wrdreg s5  }
0xaa: {  	[dreg:$0x4] =	wrdreg $0xC0  }
0xab: {  	_ =	task [dreg:s7], $0x5FFFF  }
0xac: {  	[dreg:$0x1] =	wrdreg $0xFFFFFFFF  }
0xad: {  	[dreg:$0x0] =	wrdreg $0x60  }
0xae: {  	[dreg:$0x2] =	wrdreg s2  }
0xaf: {  	[dreg:$0x3] =	wrdreg s24  }
0xb0: {  	[dreg:$0x4] =	wrdreg $0x9  }
0xb1: {  	_ =	task.clear_ibuf [dreg:s7], $0x5FFFF;
	_ =	strace $0x90000046  }
0xb2: {  	s29 =	simm.s32 $0x9;
	_ =	strace $0x80000048  }
0xb3: {  	_ =	swait.ge [sflag:s29], $0x1  }
0xb4: {  	[sflag:s29] =	ssyncadd.s32 $0xFFFFFFFF  }
0xb5: {  	_ =	strace $0x90000048  }
0xb6: {  	_ =	sfence  }
0xb7: {  	s30 =	sld [smem:$0x0];
	_ =	sdelay $0x2  }
0xb8: {  	s31 =	sshll.u32 s1, $0xD;
	s1 =	sshrl.u32 s1, $0x2  }
0xb9: {  	s3 =	sand.u32 $0x4000, s31;
	s1 =	sadd.s32 s1, s30  }
0xba: {  	s0 =	sor.u32 s3, s0;
	s1 =	sshll.u32 s1, $0x11  }
0xbb: {  	s0 =	sor.u32 s1, s0  }
0xbc: {  	s0 =	sadd.s32 $0x8F2B, s0  }
0xbd: {  	[sflag:s0] =	ssyncadd.remote.s32 $0x1  }
0xbe: {  	_ =	sfence.sel $0xFFFF  }
0xbf: {  	[dreg:$0x0] =	wrdreg $0xFFFFFFFF;
	(pc) =	sbr.abs _section_cstart, $3  }
0xc0: {  	[dreg:$0x1] =	wrdreg $0xFFFFFFFF  }
0xc1: {  	_ =	task.clear_ibuf [dreg:s7], $0x2FFFF;
	_ =	strace $0x9FFFFFFF  }
0xc2: {  	(tm) =	ssettm $0x7FFFFFFF  }
0xc3: {  	_ =	shalt  }
tec
execute0_lowered:
.L_overlay_start_1:
0x0: {  	(tag) =	ssettag $0x1  }
0x1: {  	s1 =	rddreg [dreg:$0x0]  }
0x2: {  	s0 =	rddreg [dreg:$0x1];
	s3 =	simm.s32 $0x0  }
0x3: {  	s5 =	stileid.u32;
	s2 =	srdreg.scid;
	s9 =	simm.s32 $0x1000  }
0x4: {  	s10 =	simm.s32 $0x2000;
	s11 =	simm.s32 $0x3000;
	s12 =	simm.s32 $0x9000  }
0x5: {  	s13 =	simm.s32 $0x4000;
	s14 =	simm.s32 $0xA000;
	s15 =	simm.s32 $0x5000  }
0x6: {  	s16 =	simm.s32 $0xB000;
	s17 =	simm.s32 $0x6000;
	s18 =	simm.s32 $0xC000  }
0x7: {  	s19 =	simm.s32 $0x7000;
	s20 =	simm.s32 $0xD000;
	s21 =	simm.s32 $0x8000  }
0x8: {  	s22 =	simm.s32 $0xE000;
	s23 =	simm.s32 $0x1;
	s24 =	simm.s32 $0x0  }
0x9: {  	[smem:$0x7FF] =	sst s3;
	s4 =	sshll.u32 s5, $0x1;
	s2 =	sand.u32 $0x1, s2  }
0xa: {  	s5 =	sshrl.u32 s5, $0x2;
	_ =	strace $0x80000047;
	s6 =	ssub.s32 $0x2, s2  }
0xb: {  	s4 =	sand.u32 $0x6, s4;
	s7 =	smul.u32 $0xC0000, s5;
	s8 =	sshrl.u32 s6, $0x1  }
0xc: {  	s5 =	sadd.s32 $0xA00, s0;
	s2 =	sor.u32 s2, s4;
	s31 =	ssub.s32 s6, s8  }
0xd: {  	s4 =	sadd.s32 $0x600A00, s0;
	s2 =	sshll.u32 s2, $0xF;
	s0 =	smax.u32 s31, $0x1  }
0xe: {  	s8 =	simm.s32 $0x2;
	s6 =	sor.u32 s7, s2;
	[dreg:$0x3] =	wrdreg s0  }
.LBB2_1:
0xf: {  	s25 =	simm.s32 $0x0  }
.LBB2_2:
0x10: {  	s0 =	sshll.u32 s25, $0xC  }
0x11: {  	s0 =	sadd.s32 s6, s0  }
0x12: {  	s26 =	sshrl.u32 s0, $0x3  }
0x13: {  	s2 =	simm.s32 $0x0;
	s0 =	sadd.s32 s1, s26  }
0x14: {  	[tilespmem:s2], [sflag:$0x2] =	stream.linear.gather [hbm4b:s0+s2], $0x1000, $0x38;
	[tilespmem:$0xF000] =	vst v63  }
0x15: {  	_ =	swait.ge [sflag:s8], $0x1000  }
0x16: {  	s28 =	sadd.s32 $0x8000, s26;
	[sflag:s8] =	ssyncset.done $0x0  }
0x17: {  	s7 =	sadd.s32 s1, s28;
	[sflag:s8] =	ssyncadd.s32 $0xFFFFF000  }
0x18: {  	[tilespmem:s9], [sflag:$0x2] =	stream.linear.gather [hbm4b:s7+s2], $0x1000, $0x38;
	[tilespmem:$0xF000] =	vst v63  }
0x19: {  	_ =	swait.ge [sflag:s8], $0x1000  }
0x1a: {  	s29 =	sadd.s32 $0x10000, s26;
	[sflag:s8] =	ssyncset.done $0x0  }
0x1b: {  	s7 =	sadd.s32 s1, s29;
	[sflag:s8] =	ssyncadd.s32 $0xFFFFF000  }
0x1c: {  	[tilespmem:s10], [sflag:$0x2] =	stream.linear.gather [hbm4b:s7+s2], $0x1000, $0x38;
	[tilespmem:$0xF000] =	vst v63  }
0x1d: {  	_ =	swait.ge [sflag:s8], $0x1000  }
0x1e: {  	[sflag:s8] =	ssyncset.done $0x0  }
0x1f: {  	s0 =	simm.s32 $0x0;
	[sflag:s8] =	ssyncadd.s32 $0xFFFFF000  }
0x20: {  	v0 =	vld [tilespmem:s0+$0x0]  }
0x21: {  	v1 =	vld [tilespmem:s0+$0x1000];
	_ =	sdelay $0x2  }
0x22: {  	s31 =	simm.s32 $0x10;
	v2 =	vld [tilespmem:s0+$0x2000]  }
0x23: {  	v3 =	vld [tilespmem:s31+$0x0]  }
0x24: {  	v4 =	vld [tilespmem:s31+$0x1000];
	v0 =	vmul.f32 $6.553600000e+04, v0;
	v1 =	vmul.f32 $2.560000000e+02, v1;
	_ =	sdelay $0x1  }
0x25: {  	v0 =	vadd.f32 v1, v0;
	_ =	sdelay $0x1  }
0x26: {  	v6 =	vld [tilespmem:s31+$0x2000];
	v0 =	vadd.f32 v0, v2  }
0x27: {  	s30 =	simm.s32 $0x20;
	v2 =	vmul.f32 $6.553600000e+04, v3;
	v3 =	vmul.f32 $2.560000000e+02, v4  }
0x28: {  	v1 =	vtrunc.f32 v0;
	v0 =	vld [tilespmem:s30+$0x0]  }
0x29: {  	v2 =	vadd.f32 v3, v2;
	v7 =	vcvt.f32.s32 v1;
	v1 =	vld [tilespmem:s30+$0x1000];
	_ =	sdelay $0x1  }
0x2a: {  	v6 =	vadd.f32 v2, v6;
	[tilespmem:s0+$0x3000] =	vst v7;
	v5 =	vadd.s32 $0x1000000, v7;
	v8 =	vadd.s32 $0x5000000, v7  }
0x2b: {  	s2 =	simm.s32 $0xC0;
	v3 =	vadd.s32 $0x2000000, v7;
	v4 =	vadd.s32 $0x3000000, v7;
	v2 =	vadd.s32 $0x4000000, v7;
	[tilespmem:s0+$0x8000] =	vst v8  }
.LBB2_3:
0x2c: {  	s7 =	sshra.s32 s2, $0x2;
	v7 =	vmul.f32 $6.553600000e+04, v0;
	v8 =	vld [tilespmem:s30+$0x2000];
	[tilespmem:s0+$0x4000] =	vst v5;
	p0 =	sne.s32 s2, $0x3FC0  }
.Ltmp0:
0x2d: {  	s2 =	sadd.s32 $0x40, s2;
	v0 =	vld [tilespmem:s7+$0x0];
	v5 =	vmul.f32 $2.560000000e+02, v1;
	v6 =	vtrunc.f32 v6;
	[tilespmem:s0+$0x5000] =	vst v3;
	(pc) =	sbr.rel @p0 .LBB2_3-.Ltmp0, $4  }
0x2e: {  	v1 =	vld [tilespmem:s7+$0x1000];
	v9 =	vcvt.f32.s32 v6;
	[tilespmem:s0+$0x6000] =	vst v4  }
0x2f: {  	v4 =	vadd.f32 v5, v7;
	[tilespmem:s0+$0x7000] =	vst v2;
	s0 =	smov.u32 s31;
	s31 =	smov.u32 s30;
	s30 =	smov.u32 s7  }
0x30: {  	[tilespmem:s0+$0x3000] =	vst v9;
	v5 =	vadd.s32 $0x1000000, v9;
	v3 =	vadd.s32 $0x2000000, v9;
	v7 =	vadd.s32 $0x5000000, v9  }
0x31: {  	v2 =	vadd.s32 $0x4000000, v9;
	v6 =	vadd.f32 v4, v8;
	v4 =	vadd.s32 $0x3000000, v9;
	[tilespmem:s0+$0x8000] =	vst v7  }
0x32: {  	v7 =	vld [tilespmem:s30+$0x2000];
	v0 =	vmul.f32 $6.553600000e+04, v0;
	[tilespmem:s0+$0x4000] =	vst v5  }
0x33: {  	[tilespmem:s0+$0x5000] =	vst v3;
	v1 =	vmul.f32 $2.560000000e+02, v1;
	v5 =	vtrunc.f32 v6  }
0x34: {  	[tilespmem:s0+$0x6000] =	vst v4;
	v3 =	vcvt.f32.s32 v5  }
0x35: {  	[tilespmem:s0+$0x7000] =	vst v2;
	v0 =	vadd.f32 v1, v0  }
0x36: {  	[tilespmem:s31+$0x3000] =	vst v3;
	v1 =	vadd.s32 $0x5000000, v3  }
0x37: {  	v2 =	vadd.s32 $0x1000000, v3;
	v0 =	vadd.f32 v0, v7;
	[tilespmem:s31+$0x8000] =	vst v1  }
0x38: {  	v1 =	vadd.s32 $0x2000000, v3;
	[tilespmem:s31+$0x4000] =	vst v2  }
0x39: {  	v2 =	vadd.s32 $0x3000000, v3;
	[tilespmem:s31+$0x5000] =	vst v1;
	v0 =	vtrunc.f32 v0  }
0x3a: {  	v1 =	vadd.s32 $0x4000000, v3;
	[tilespmem:s31+$0x6000] =	vst v2;
	v0 =	vcvt.f32.s32 v0  }
0x3b: {  	[tilespmem:s31+$0x7000] =	vst v1  }
0x3c: {  	[tilespmem:s30+$0x3000] =	vst v0;
	v1 =	vadd.s32 $0x5000000, v0  }
0x3d: {  	v2 =	vadd.s32 $0x1000000, v0;
	[tilespmem:s30+$0x8000] =	vst v1  }
0x3e: {  	v1 =	vadd.s32 $0x2000000, v0;
	[tilespmem:s30+$0x4000] =	vst v2  }
0x3f: {  	v2 =	vadd.s32 $0x3000000, v0;
	[tilespmem:s30+$0x5000] =	vst v1  }
0x40: {  	v0 =	vadd.s32 $0x4000000, v0;
	[tilespmem:s30+$0x6000] =	vst v2  }
0x41: {  	[tilespmem:s30+$0x7000] =	vst v0  }
0x42: {  	[tilespmem:s12], [sflag:$0x1] =	stream.indirect.gather [hbm4b:s4+s9], $0x1, s11, s9, $0xb8;
	[tilespmem:$0xF000] =	vst v63  }
0x43: {  	_ = 	snop  }
0x44: {  	[tilespmem:s14], [sflag:$0x1] =	stream.indirect.gather [hbm4b:s4+s9], $0x1, s13, s9, $0xb8;
	[tilespmem:$0xF000] =	vst v63  }
0x45: {  	_ = 	snop  }
0x46: {  	[tilespmem:s16], [sflag:$0x1] =	stream.indirect.gather [hbm4b:s4+s9], $0x1, s15, s9, $0xb8;
	[tilespmem:$0xF000] =	vst v63  }
0x47: {  	_ = 	snop  }
0x48: {  	[tilespmem:s18], [sflag:$0x1] =	stream.indirect.gather [hbm4b:s4+s9], $0x1, s17, s9, $0xb8;
	[tilespmem:$0xF000] =	vst v63  }
0x49: {  	_ = 	snop  }
0x4a: {  	[tilespmem:s20], [sflag:$0x1] =	stream.indirect.gather [hbm4b:s4+s9], $0x1, s19, s9, $0xb8;
	[tilespmem:$0xF000] =	vst v63  }
0x4b: {  	_ = 	snop  }
0x4c: {  	[tilespmem:s22], [sflag:$0x1] =	stream.indirect.gather [hbm4b:s4+s9], $0x1, s21, s9, $0xb8;
	[tilespmem:$0xF000] =	vst v63  }
0x4d: {  	_ =	swait.ge [sflag:s23], $0x1000  }
0x4e: {  	[sflag:s23] =	ssyncset.done $0x0  }
0x4f: {  	[sflag:s23] =	ssyncadd.s32 $0xFFFFF000  }
0x50: {  	_ =	swait.ge [sflag:s23], $0x1000  }
0x51: {  	[sflag:s23] =	ssyncset.done $0x0  }
0x52: {  	[sflag:s23] =	ssyncadd.s32 $0xFFFFF000  }
0x53: {  	_ =	swait.ge [sflag:s23], $0x1000  }
0x54: {  	[sflag:s23] =	ssyncset.done $0x0  }
0x55: {  	[sflag:s23] =	ssyncadd.s32 $0xFFFFF000  }
0x56: {  	_ =	swait.ge [sflag:s23], $0x1000  }
0x57: {  	[sflag:s23] =	ssyncset.done $0x0  }
0x58: {  	[sflag:s23] =	ssyncadd.s32 $0xFFFFF000  }
0x59: {  	_ =	swait.ge [sflag:s23], $0x1000  }
0x5a: {  	[sflag:s23] =	ssyncset.done $0x0  }
0x5b: {  	[sflag:s23] =	ssyncadd.s32 $0xFFFFF000  }
0x5c: {  	_ =	swait.ge [sflag:s23], $0x1000  }
0x5d: {  	[sflag:s23] =	ssyncset.done $0x0  }
0x5e: {  	s31 =	simm.s32 $0x0;
	[sflag:s23] =	ssyncadd.s32 $0xFFFFF000  }
0x5f: {  	v0 =	vld [tilespmem:s31+$0x9000]  }
0x60: {  	v1 =	vld [tilespmem:s31+$0xC000]  }
0x61: {  	v5 =	vld [tilespmem:s31+$0xA000]  }
0x62: {  	v2 =	vld [tilespmem:s31+$0xD000]  }
0x63: {  	v7 =	vld [tilespmem:s31+$0xB000]  }
0x64: {  	v3 =	vld [tilespmem:s31+$0xE000];
	_ =	sdelay $0x1  }
0x65: {  	v4 =	vld [tilespmem:s31+$0x0]  }
0x66: {  	v8 =	vld [tilespmem:s31+$0x1000];
	v6 =	vsub.f32 v1, v0  }
0x67: {  	s30 =	simm.s32 $0x10;
	v9 =	vld [tilespmem:s31+$0x2000];
	v2 =	vsub.f32 v2, v5  }
0x68: {  	v1 =	vld [tilespmem:s30+$0x9000];
	v10 =	vsub.f32 v3, v7;
	v6 =	vadd.f32 $1.000000000e+00, v6  }
0x69: {  	v3 =	vld [tilespmem:s30+$0xC000];
	v11 =	vadd.f32 $1.000000000e+00, v2  }
0x6a: {  	v12 =	vmul.f32 v0, v4;
	v2 =	vld [tilespmem:s30+$0xA000];
	v10 =	vadd.f32 $1.000000000e+00, v10;
	v13 =	vmul.f32 $1.270000000e+02, v6  }
0x6b: {  	v4 =	vld [tilespmem:s30+$0xD000];
	v5 =	vmul.f32 v5, v8;
	v6 =	vmul.f32 $1.270000000e+02, v11  }
0x6c: {  	s0 =	simm.s32 $0x80;
	v0 =	vld [tilespmem:s30+$0xB000];
	v7 =	vmul.f32 v7, v9;
	v9 =	vmul.f32 $1.270000000e+02, v10;
	v8 =	vadd.f32 v13, v12  }
.LBB2_5:
0x6d: {  	p0 =	sne.s32 s0, $0x3FC0;
	v10 =	vld [tilespmem:s30+$0xE000];
	v11 =	vadd.f32 v6, v5;
	v6 =	vmov v1  }
0x6e: {  	[tilespmem:s31+$0x0] =	vst v8;
	v1 =	vadd.f32 v9, v7  }
0x6f: {  	v7 =	vld [tilespmem:s30+$0x0];
	[tilespmem:s31+$0x1000] =	vst v11;
	v5 =	vmov v2  }
0x70: {  	v2 =	vsub.f32 v3, v6;
	v8 =	vld [tilespmem:s30+$0x1000];
	[tilespmem:s31+$0x2000] =	vst v1;
	s31 =	smov.u32 s30  }
0x71: {  	s30 =	sshra.s32 s0, $0x2;
	v4 =	vsub.f32 v4, v5;
	v9 =	vld [tilespmem:s31+$0x2000]  }
.Ltmp1:
0x72: {  	v11 =	vadd.f32 $1.000000000e+00, v2;
	v1 =	vld [tilespmem:s30+$0x9000];
	v10 =	vsub.f32 v10, v0;
	(pc) =	sbr.rel @p0 .LBB2_5-.Ltmp1, $4  }
0x73: {  	v12 =	vadd.f32 $1.000000000e+00, v4;
	v3 =	vld [tilespmem:s30+$0xC000]  }
0x74: {  	v11 =	vmul.f32 $1.270000000e+02, v11;
	v2 =	vld [tilespmem:s30+$0xA000];
	v7 =	vmul.f32 v6, v7;
	v10 =	vadd.f32 $1.000000000e+00, v10  }
0x75: {  	v6 =	vmul.f32 $1.270000000e+02, v12;
	v4 =	vld [tilespmem:s30+$0xD000];
	v5 =	vmul.f32 v5, v8  }
0x76: {  	s0 =	sadd.s32 $0x40, s0;
	v8 =	vadd.f32 v11, v7;
	v7 =	vmul.f32 v0, v9;
	v0 =	vld [tilespmem:s30+$0xB000];
	v9 =	vmul.f32 $1.270000000e+02, v10  }
0x77: {  	v10 =	vld [tilespmem:s30+$0xE000];
	v5 =	vadd.f32 v6, v5  }
0x78: {  	[tilespmem:s31+$0x0] =	vst v8;
	v7 =	vadd.f32 v9, v7  }
0x79: {  	v57 =	vld [tilespmem:s30+$0x0];
	[tilespmem:s31+$0x1000] =	vst v5  }
0x7a: {  	v3 =	vsub.f32 v3, v1;
	v5 =	vld [tilespmem:s30+$0x1000];
	[tilespmem:s31+$0x2000] =	vst v7  }
0x7b: {  	v4 =	vsub.f32 v4, v2;
	v7 =	vld [tilespmem:s30+$0x2000]  }
0x7c: {  	v3 =	vadd.f32 $1.000000000e+00, v3;
	v58 =	vsub.f32 v10, v0  }
0x7d: {  	v4 =	vadd.f32 $1.000000000e+00, v4  }
0x7e: {  	v3 =	vmul.f32 $1.270000000e+02, v3;
	v59 =	vmul.f32 v1, v57;
	v60 =	vadd.f32 $1.000000000e+00, v58  }
0x7f: {  	v4 =	vmul.f32 $1.270000000e+02, v4;
	v61 =	vmul.f32 v2, v5  }
0x80: {  	v1 =	vadd.f32 v3, v59;
	v62 =	vmul.f32 v0, v7;
	v63 =	vmul.f32 $1.270000000e+02, v60  }
0x81: {  	v2 =	vadd.f32 v4, v61  }
0x82: {  	[tilespmem:s30+$0x0] =	vst v1;
	v0 =	vadd.f32 v63, v62  }
0x83: {  	[tilespmem:s30+$0x1000] =	vst v2  }
0x84: {  	s0 =	sadd.s32 s5, s26;
	[tilespmem:s30+$0x2000] =	vst v0  }
0x85: {  	[hbm4b:s0+s3] =	stream.linear.scatter [tilespmem:s3], [sflag:$0x2], $0x1000, $0x38;
	[tilespmem:$0xF000] =	vst v63  }
0x86: {  	_ =	swait.ge [sflag:s8], $0x1000  }
0x87: {  	[sflag:s8] =	ssyncset.done $0x0  }
0x88: {  	s30 =	sadd.s32 s5, s28;
	[sflag:s8] =	ssyncadd.s32 $0xFFFFF000  }
0x89: {  	[hbm4b:s30+s3] =	stream.linear.scatter [tilespmem:s9], [sflag:$0x2], $0x1000, $0x38;
	[tilespmem:$0xF000] =	vst v63  }
0x8a: {  	s25 =	sadd.s32 $0x1, s25;
	_ =	swait.ge [sflag:s8], $0x1000  }
0x8b: {  	p0 =	sne.s32 s25, $0x8;
	[sflag:s8] =	ssyncset.done $0x0  }
.Ltmp2:
0x8c: {  	s31 =	sadd.s32 s5, s29;
	[sflag:s8] =	ssyncadd.s32 $0xFFFFF000;
	(pc) =	sbr.rel @p0 .LBB2_2-.Ltmp2, $4  }
0x8d: {  	[hbm4b:s31+s3] =	stream.linear.scatter [tilespmem:s10], [sflag:$0x2], $0x1000, $0x38;
	[tilespmem:$0xF000] =	vst v63  }
0x8e: {  	_ =	swait.ge [sflag:s8], $0x1000  }
0x8f: {  	[sflag:s8] =	ssyncset.done $0x0  }
0x90: {  	[sflag:s8] =	ssyncadd.s32 $0xFFFFF000  }
0x91: {  	s24 =	sadd.s32 $0x1, s24;
	s0 =	rddreg [dreg:$0x3]  }
0x92: {  	p0 =	sne.s32 s24, s0  }
.Ltmp3:
0x93: {  	_ = 	snop;
	(pc) =	sbr.rel @p0 .LBB2_1-.Ltmp3, $1  }
0x94: {  	_ =	sdelay $0x3  }
0x95: {  	_ =	sfence.sel $0x180000  }
0x96: {  	[bflag:$0x0] =	sbarrier.arrive $0xFFFF  }
0x97: {  	_ =	strace $0x90000047  }
0x98: {  	s0 =	stileid.u32;
	[bflag:$0x2] =	sbarrier.arrive $0xFFFF  }
0x99: {  	p0 =	sne.s32 s0, $0x0;
	s0 =	rddreg [dreg:$0x2]  }
0x9a: {  	s0 =	sadd.s32 @!p0 $0x100000, s0  }
0x9b: {  	[sflag:s0] =	ssyncadd.tile.s32 @!p0 $0x1;
	_ =	shalt  }
.Lfunc_end2:
_tile_overlayer_lowered:
.L_overlay_start_2:
0x9c: {  	(tag) =	ssettag $0x2  }
0x9d: {  	s0 =	rddreg [dreg:$0x0];
	s2 =	stileid.u32  }
0x9e: {  	s1 =	rddreg [dreg:$0x1];
	p0 =	sne.s32 s2, $0x0  }
0x9f: {  	s3 =	rddreg [dreg:$0x2];
	[bflag:$0x3] =	sbarrier.arrive $0xFFFF;
	s2 =	simm.s32 @!p0 $0x1C02  }
0xa0: {  	[timem:s3], [sflag:s2] =	dma.local @!p0 [hbm:s0], s1  }
0xa1: {  	s0 =	simm.s32 @!p0 $0x2  }
0xa2: {  	_ =	swait.ge @!p0 [sflag:s0], s1  }
0xa3: {  	s1 =	ssub.s32 @!p0 $0x0, s1;
	[sflag:s0] =	ssyncset.done @!p0 $0x0  }
0xa4: {  	[sflag:s0] =	ssyncadd.s32 @!p0 s1  }
0xa5: {  	[bflag:$0x3] =	sbarrier.arrive $0xFFFF  }
0xa6: {  	_ =	shalt  }

</sc_bundles>
